<compile_context>
chip_gen: v7x
topology: tpu7x:2x2x1
jax: 0.10.2.dev20260603
libtpu: 0.0.44.dev20260713+nightly
codegen_flags: <defaults>
</compile_context>

<pallas_src>
import functools

import jax
import jax.numpy as jnp
import numpy as np
from jax import lax
from jax.experimental import pallas as pl
from jax.experimental.pallas import tpu as pltpu
from jax.experimental.pallas import tpu_sc as plsc

_RATIO = 0.5
_MIN_K = 16
_MAX_K = 512

_NUM_CORES = 2
_NUM_SUBCORES = 16
_NUM_WORKERS = _NUM_CORES * _NUM_SUBCORES
_L = 16

_INT_MIN = np.int32(-2147483648)


def _worker_id():
    return lax.axis_index("s") * _NUM_CORES + lax.axis_index("c")


def _f32_to_key(v):
    i = plsc.bitcast(v, jnp.int32)
    flip = lax.shift_right_arithmetic(i, jnp.int32(31)) & jnp.int32(0x7FFFFFFF)
    return i ^ flip


def _selector_body(k, S, n_rows, scores_hbm, out_hbm, row_f, key_v, mask_v):
    rows_per_worker = n_rows // _NUM_WORKERS
    nvec = S // _L
    wid = _worker_id()
    lane = lax.iota(jnp.int32, _L)

    def do_row(t, _):
        r = wid + t * _NUM_WORKERS
        q = lax.rem(r, S)
        heavy = q >= k

        @pl.when(heavy)
        def _heavy():
            pltpu.sync_copy(scores_hbm.at[r], row_f)
            nv = q // _L + 1

            def conv(j, _):
                v = row_f[pl.ds(j * _L, _L)]
                key = _f32_to_key(v)
                col = j * _L + lane
                key_v[pl.ds(j * _L, _L)] = jnp.where(col <= q, key, _INT_MIN)
                return 0

            lax.fori_loop(0, nv, conv, 0)

            def bit_step(b, U):
                Ucand = U | lax.shift_left(jnp.int32(1), jnp.int32(31) - b)
                T = Ucand ^ _INT_MIN
                Tv = jnp.broadcast_to(T, (_L,))

                def cnt_step(j, acc):
                    kv = key_v[pl.ds(j * _L, _L)]
                    return acc + jnp.where(kv >= Tv, jnp.int32(1), jnp.int32(0))

                acc = lax.fori_loop(0, nv, cnt_step, jnp.zeros((_L,), jnp.int32))
                cnt = jnp.sum(acc)
                return jnp.where(cnt >= k, Ucand, U)

            U = lax.fori_loop(0, 32, bit_step, jnp.int32(0))
            Tv = jnp.broadcast_to(U ^ _INT_MIN, (_L,))

            def pad(j, _):
                key_v[pl.ds(j * _L, _L)] = jnp.broadcast_to(_INT_MIN, (_L,))
                return 0

            lax.fori_loop(nv, nvec, pad, 0)

            def emit(j, _):
                kv = key_v[pl.ds(j * _L, _L)]
                mask_v[pl.ds(j * _L, _L)] = jnp.where(
                    kv >= Tv, jnp.int32(1), jnp.int32(0))
                return 0

            lax.fori_loop(0, nvec, emit, 0)
            pltpu.sync_copy(mask_v, out_hbm.at[r])

        @pl.when(jnp.logical_not(heavy))
        def _light():
            def emit(j, _):
                col = j * _L + lane
                mask_v[pl.ds(j * _L, _L)] = jnp.where(
                    col <= q, jnp.int32(1), jnp.int32(0))
                return 0

            lax.fori_loop(0, nvec, emit, 0)
            pltpu.sync_copy(mask_v, out_hbm.at[r])

        return 0

    lax.fori_loop(0, rows_per_worker, do_row, 0)


def kernel(x, index_scores):
    B, S, _ = x.shape
    k = int(S * _RATIO)
    k = max(_MIN_K, min(_MAX_K, k))

    scores = index_scores.reshape(B * S, S)
    mesh = plsc.VectorSubcoreMesh(
        core_axis_name="c", subcore_axis_name="s",
        num_cores=_NUM_CORES, num_subcores=_NUM_SUBCORES)

    body = functools.partial(_selector_body, k, S, B * S)
    mask_i32 = pl.kernel(
        body,
        out_type=jax.ShapeDtypeStruct((B * S, S), jnp.int32),
        mesh=mesh,
        scratch_types=[
            pltpu.VMEM((S,), jnp.float32),
            pltpu.VMEM((S,), jnp.int32),
            pltpu.VMEM((S,), jnp.int32),
        ],
        compiler_params=pltpu.CompilerParams(needs_layout_passes=False),
    )(scores)

    top_k_mask = mask_i32.astype(bool).reshape(B, S, S)
    k_values = jnp.full((B, S), k, dtype=jnp.int32)
    return (top_k_mask, k_values)

# --- scband reference (transcript-rebuilt; emitter-appended) ---
"""Pipeline reference for scband-fixed-ratio-selector-76982993814146 (READ-ONLY COPY).

The authoritative reference and input builder live on the scoring server;
editing this copy changes nothing except your own understanding.
"""

import jax, jax.numpy as jnp
import numpy as np

RATIO = 0.5
MIN_K = 16
MAX_K = 512


def setup_inputs(seed: int = 0) -> dict:
    key = jax.random.key(seed)
    k1, k2 = jax.random.split(key)
    x = jax.random.normal(k1, (2, 2048, 1024), dtype=jnp.float32)
    index_scores = jax.random.normal(k2, (2, 2048, 2048), dtype=jnp.float32)
    return {"x": x, "index_scores": index_scores}


def reference(x, index_scores):
    B, S, _ = x.shape
    k = int(S * RATIO)
    k = max(MIN_K, min(MAX_K, k))
    causal = jnp.tril(jnp.ones((S, S), dtype=bool))
    masked = jnp.where(causal[None, :, :], index_scores, -jnp.inf)
    # Vectorized equivalent of the per-(b,q) torch loop:
    # torch takes top min(k, q+1) of row q. Rows above the diagonal are -inf,
    # so taking top_k with fixed k and keeping only finite-valued hits selects
    # exactly the same index set (all q+1 entries when q+1 < k, top k otherwise).
    vals, idx = jax.lax.top_k(masked, k)  # [B, S, k]
    valid = (vals > -jnp.inf).astype(jnp.int32)
    b_idx = jnp.arange(B)[:, None, None]
    q_idx = jnp.arange(S)[None, :, None]
    counts = jnp.zeros((B, S, S), dtype=jnp.int32).at[b_idx, q_idx, idx].add(valid)
    top_k_mask = counts > 0
    k_values = jnp.full((B, S), k, dtype=jnp.int32)
    return (top_k_mask, k_values)

if __name__ == "__main__":
    import jax
    _d = setup_inputs()
    print(jax.jit(kernel)(*tuple(_d.values())))

</pallas_src>

<mosaic_0001>
#map = affine_map<(d0, d1) -> (0, 0)>
module attributes {stable_mosaic.version = 14 : i64} {
  func.func @_selector_body(%arg0: i32, %arg1: i32, %arg2: memref<4096x2048xf32, #tpu.memory_space<hbm>>, %arg3: memref<4096x2048xi32, #tpu.memory_space<hbm>>, %arg4: memref<2048xf32, #tpu.memory_space<vmem>>, %arg5: memref<2048xi32, #tpu.memory_space<vmem>>, %arg6: memref<2048xi32, #tpu.memory_space<vmem>>) attributes {dimension_semantics = [#tpu.dimension_semantics<core_parallel>, #tpu.dimension_semantics<subcore_parallel>], iteration_bounds = array<i64: 2, 16>, scalar_prefetch = 0 : i64, scratch_operands = 3 : i64, tpu.core_type = #tpu.core_type<sc_vector_subcore>, window_params = [{transform_indices = #map}, {transform_indices = #map}]} {
    %mul3A = arith.constant 2 : i32
    %mul3A_0 = arith.muli %arg1, %mul3A : i32
    %add3A = arith.addi %mul3A_0, %arg0 : i32
    %iota3A = tpu.iota {dimensions = array<i32: 0>} : vector<16xi32>
    %scan3A = arith.constant 0 : i32
    %scan3A_1 = arith.constant 0 : i32
    %scan3A_2 = arith.constant 128 : i32
    %scan3A_3 = arith.addi %scan3A_1, %scan3A_2 : i32
    %scan3A_4 = arith.constant 1 : i32
    %scan3A_5 = scf.for %scan3A_7 = %scan3A_1 to %scan3A_3 step %scan3A_4 iter_args(%scan3A_8 = %scan3A) -> (i32)  : i32 {
      %mul3A_9 = arith.constant 32 : i32
      %mul3A_10 = arith.muli %scan3A_7, %mul3A_9 : i32
      %add3A_11 = arith.addi %add3A, %mul3A_10 : i32
      %rem3A = arith.constant 2048 : i32
      %rem3A_12 = arith.remsi %add3A_11, %rem3A : i32
      %ge3A = arith.constant 512 : i32
      %ge3A_13 = arith.cmpi sge, %rem3A_12, %ge3A : i32
      %convert_element_type3A = arith.extui %ge3A_13 : i1 to i32
      %cond3A = arith.constant 0 : i32
      %cond3A_14 = arith.cmpi ne, %convert_element_type3A, %cond3A : i32
      scf.if %cond3A_14 {
        "tpu.region"() ({
          %run_scoped3A = tpu.sem_alloc : memref<!tpu.dma_semaphore, #tpu.memory_space<semaphore_mem>>
          %dma_start3A = arith.constant 0 : i32
          %dma_start3A_77 = tpu.memref_slice %arg2[%add3A_11, %dma_start3A] : memref<4096x2048xf32, #tpu.memory_space<hbm>> -> memref<1x2048xf32, #tpu.memory_space<hbm>>
          %dma_start3A_78 = tpu.memref_squeeze %dma_start3A_77 : memref<1x2048xf32, #tpu.memory_space<hbm>> -> memref<2048xf32, #tpu.memory_space<hbm>>
          %dma_start3A_79 = arith.constant 0 : i32
          %dma_start3A_80 = tpu.memref_slice %arg2[%add3A_11, %dma_start3A_79] : memref<4096x2048xf32, #tpu.memory_space<hbm>> -> memref<1x2048xf32, #tpu.memory_space<hbm>>
          %dma_start3A_81 = tpu.memref_squeeze %dma_start3A_80 : memref<1x2048xf32, #tpu.memory_space<hbm>> -> memref<2048xf32, #tpu.memory_space<hbm>>
          tpu.enqueue_dma source(%dma_start3A_81 : memref<2048xf32, #tpu.memory_space<hbm>>) target(%arg4 : memref<2048xf32, #tpu.memory_space<vmem>>) target_semaphore(%run_scoped3A : memref<!tpu.dma_semaphore, #tpu.memory_space<semaphore_mem>>)
          %dma_wait3A = arith.constant 0 : i32
          %dma_wait3A_82 = tpu.memref_slice %arg2[%add3A_11, %dma_wait3A] : memref<4096x2048xf32, #tpu.memory_space<hbm>> -> memref<1x2048xf32, #tpu.memory_space<hbm>>
          %dma_wait3A_83 = tpu.memref_squeeze %dma_wait3A_82 : memref<1x2048xf32, #tpu.memory_space<hbm>> -> memref<2048xf32, #tpu.memory_space<hbm>>
          %dma_wait3A_84 = arith.constant 0 : i32
          %dma_wait3A_85 = tpu.memref_slice %arg2[%add3A_11, %dma_wait3A_84] : memref<4096x2048xf32, #tpu.memory_space<hbm>> -> memref<1x2048xf32, #tpu.memory_space<hbm>>
          %dma_wait3A_86 = tpu.memref_squeeze %dma_wait3A_85 : memref<1x2048xf32, #tpu.memory_space<hbm>> -> memref<2048xf32, #tpu.memory_space<hbm>>
          tpu.wait_dma2 semaphore(%run_scoped3A : memref<!tpu.dma_semaphore, #tpu.memory_space<semaphore_mem>>) src(%dma_wait3A_86 : memref<2048xf32, #tpu.memory_space<hbm>>) dst(%arg4 : memref<2048xf32, #tpu.memory_space<vmem>>)
          tpu.yield
        }) : () -> ()
        %jit3A = arith.constant 16 : i32
        %div3A = arith.divsi %rem3A_12, %jit3A : i32
        %sign3A = arith.constant 0 : i32
        %sign3A_20 = arith.cmpi sgt, %rem3A_12, %sign3A : i32
        %sign3A_21 = arith.extui %sign3A_20 : i1 to i32
        %sign3A_22 = arith.constant 0 : i32
        %sign3A_23 = arith.cmpi slt, %rem3A_12, %sign3A_22 : i32
        %sign3A_24 = arith.extui %sign3A_23 : i1 to i32
        %sign3A_25 = arith.subi %sign3A_21, %sign3A_24 : i32
        %sign3A_26 = arith.constant 0 : i32
        %sign3A_27 = arith.cmpi sgt, %jit3A, %sign3A_26 : i32
        %sign3A_28 = arith.extui %sign3A_27 : i1 to i32
        %sign3A_29 = arith.constant 0 : i32
        %sign3A_30 = arith.cmpi slt, %jit3A, %sign3A_29 : i32
        %sign3A_31 = arith.extui %sign3A_30 : i1 to i32
        %sign3A_32 = arith.subi %sign3A_28, %sign3A_31 : i32
        %ne3A = arith.cmpi ne, %sign3A_25, %sign3A_32 : i32
        %rem3A_33 = arith.remsi %rem3A_12, %jit3A : i32
        %ne3A_34 = arith.constant 0 : i32
        %ne3A_35 = arith.cmpi ne, %rem3A_33, %ne3A_34 : i32
        %and3A = arith.andi %ne3A, %ne3A_35 : i1
        %sub3A = arith.constant 1 : i32
        %sub3A_36 = arith.subi %div3A, %sub3A : i32
        %select_n3A = arith.select %and3A, %sub3A_36, %div3A : i32
        %add3A_37 = arith.constant 1 : i32
        %add3A_38 = arith.addi %select_n3A, %add3A_37 : i32
        %while3A = arith.constant 0 : i32
        %while3A_39 = arith.constant 0 : i32
        %while3A_40 = arith.subi %add3A_38, %while3A : i32
        %while3A_41 = arith.addi %while3A, %while3A_40 : i32
        %while3A_42 = arith.constant 1 : i32
        %while3A_43 = arith.divsi %while3A_40, %while3A_42 : i32
        %while3A_44 = arith.muli %while3A_43, %while3A_42 : i32
        %while3A_45 = arith.addi %while3A, %while3A_44 : i32
        %while3A_46 = arith.constant 1 : i32
        %while3A_47 = scf.for %while3A_77 = %while3A to %while3A_45 step %while3A_46 iter_args(%while3A_78 = %while3A_39) -> (i32)  : i32 {
          %mul3A_79 = arith.constant 16 : i32
          %mul3A_80 = arith.muli %while3A_77, %mul3A_79 : i32
          %get3A = arith.index_cast %mul3A_80 : i32 to index
          %get3A_81 = tpu.vector_load %arg4[%get3A] {strides = array<i32>} : memref<2048xf32, #tpu.memory_space<vmem>>, vector<16xf32>,
          %bitcast3A = vector.bitcast %get3A_81 : vector<16xf32> to vector<16xi32>
          %shift_right_arithmetic3A = arith.constant 31 : i32
          %shift_right_arithmetic3A_82 = vector.broadcast %shift_right_arithmetic3A : i32 to vector<16xi32>
          %shift_right_arithmetic3A_83 = arith.shrsi %bitcast3A, %shift_right_arithmetic3A_82 : vector<16xi32>
          %and3A_84 = arith.constant 2147483647 : i32
          %and3A_85 = vector.broadcast %and3A_84 : i32 to vector<16xi32>
          %and3A_86 = arith.andi %shift_right_arithmetic3A_83, %and3A_85 : vector<16xi32>
          %xor3A_87 = arith.xori %bitcast3A, %and3A_86 : vector<16xi32>
          %mul3A_88 = arith.constant 16 : i32
          %mul3A_89 = arith.muli %while3A_77, %mul3A_88 : i32
          %add3A_90 = vector.broadcast %mul3A_89 : i32 to vector<16xi32>
          %add3A_91 = arith.addi %add3A_90, %iota3A : vector<16xi32>
          %le3A = vector.broadcast %rem3A_12 : i32 to vector<16xi32>
          %le3A_92 = arith.cmpi sle, %add3A_91, %le3A : vector<16xi32>
          %jit3A_93 = arith.constant -2147483648 : i32
          %broadcast_in_dim3A_94 = vector.broadcast %jit3A_93 : i32 to vector<16xi32>
          %select_n3A_95 = arith.select %le3A_92, %xor3A_87, %broadcast_in_dim3A_94 : vector<16xi1>, vector<16xi32>
          %mul3A_96 = arith.constant 16 : i32
          %mul3A_97 = arith.muli %while3A_77, %mul3A_96 : i32
          %swap3A = arith.index_cast %mul3A_97 : i32 to index
          %swap3A_98 = tpu.vector_load %arg5[%swap3A] {strides = array<i32>} : memref<2048xi32, #tpu.memory_space<vmem>>, vector<16xi32>,
          tpu.vector_store %arg5[%swap3A], %select_n3A_95 {strides = array<i32>} : memref<2048xi32, #tpu.memory_space<vmem>>, vector<16xi32>,
          %while3A_99 = arith.constant 0 : i32
          scf.yield %while3A_99 : i32
        }
        %while3A_48 = arith.constant 1 : i32
        %while3A_49 = scf.for %while3A_77 = %while3A_45 to %while3A_41 step %while3A_48 iter_args(%while3A_78 = %while3A_47) -> (i32)  : i32 {
          %mul3A_79 = arith.constant 16 : i32
          %mul3A_80 = arith.muli %while3A_77, %mul3A_79 : i32
          %get3A = arith.index_cast %mul3A_80 : i32 to index
          %get3A_81 = tpu.vector_load %arg4[%get3A] {strides = array<i32>} : memref<2048xf32, #tpu.memory_space<vmem>>, vector<16xf32>,
          %bitcast3A = vector.bitcast %get3A_81 : vector<16xf32> to vector<16xi32>
          %shift_right_arithmetic3A = arith.constant 31 : i32
          %shift_right_arithmetic3A_82 = vector.broadcast %shift_right_arithmetic3A : i32 to vector<16xi32>
          %shift_right_arithmetic3A_83 = arith.shrsi %bitcast3A, %shift_right_arithmetic3A_82 : vector<16xi32>
          %and3A_84 = arith.constant 2147483647 : i32
          %and3A_85 = vector.broadcast %and3A_84 : i32 to vector<16xi32>
          %and3A_86 = arith.andi %shift_right_arithmetic3A_83, %and3A_85 : vector<16xi32>
          %xor3A_87 = arith.xori %bitcast3A, %and3A_86 : vector<16xi32>
          %mul3A_88 = arith.constant 16 : i32
          %mul3A_89 = arith.muli %while3A_77, %mul3A_88 : i32
          %add3A_90 = vector.broadcast %mul3A_89 : i32 to vector<16xi32>
          %add3A_91 = arith.addi %add3A_90, %iota3A : vector<16xi32>
          %le3A = vector.broadcast %rem3A_12 : i32 to vector<16xi32>
          %le3A_92 = arith.cmpi sle, %add3A_91, %le3A : vector<16xi32>
          %jit3A_93 = arith.constant -2147483648 : i32
          %broadcast_in_dim3A_94 = vector.broadcast %jit3A_93 : i32 to vector<16xi32>
          %select_n3A_95 = arith.select %le3A_92, %xor3A_87, %broadcast_in_dim3A_94 : vector<16xi1>, vector<16xi32>
          %mul3A_96 = arith.constant 16 : i32
          %mul3A_97 = arith.muli %while3A_77, %mul3A_96 : i32
          %swap3A = arith.index_cast %mul3A_97 : i32 to index
          %swap3A_98 = tpu.vector_load %arg5[%swap3A] {strides = array<i32>} : memref<2048xi32, #tpu.memory_space<vmem>>, vector<16xi32>,
          tpu.vector_store %arg5[%swap3A], %select_n3A_95 {strides = array<i32>} : memref<2048xi32, #tpu.memory_space<vmem>>, vector<16xi32>,
          %while3A_99 = arith.constant 0 : i32
          scf.yield %while3A_99 : i32
        }
        %scan3A_50 = arith.constant 0 : i32
        %scan3A_51 = arith.constant 0 : i32
        %scan3A_52 = arith.constant 32 : i32
        %scan3A_53 = arith.addi %scan3A_51, %scan3A_52 : i32
        %scan3A_54 = arith.constant 1 : i32
        %scan3A_55 = scf.for %scan3A_77 = %scan3A_51 to %scan3A_53 step %scan3A_54 iter_args(%scan3A_78 = %scan3A_50) -> (i32)  : i32 {
          %sub3A_79 = arith.constant 31 : i32
          %sub3A_80 = arith.subi %sub3A_79, %scan3A_77 : i32
          %shift_left3A = arith.constant 1 : i32
          %shift_left3A_81 = arith.shli %shift_left3A, %sub3A_80 : i32
          %or3A = arith.ori %scan3A_78, %shift_left3A_81 : i32
          %xor3A_82 = arith.constant -2147483648 : i32
          %xor3A_83 = arith.xori %or3A, %xor3A_82 : i32
          %broadcast_in_dim3A_84 = vector.broadcast %xor3A_83 : i32 to vector<16xi32>
          %broadcast_in_dim3A_85 = arith.constant 0 : i32
          %broadcast_in_dim3A_86 = vector.broadcast %broadcast_in_dim3A_85 : i32 to vector<16xi32>
          %while3A_87 = arith.constant 0 : i32
          %while3A_88 = arith.subi %add3A_38, %while3A_87 : i32
          %while3A_89 = arith.addi %while3A_87, %while3A_88 : i32
          %while3A_90 = arith.constant 1 : i32
          %while3A_91 = arith.divsi %while3A_88, %while3A_90 : i32
          %while3A_92 = arith.muli %while3A_91, %while3A_90 : i32
          %while3A_93 = arith.addi %while3A_87, %while3A_92 : i32
          %while3A_94 = arith.constant 1 : i32
          %while3A_95 = scf.for %while3A_104 = %while3A_87 to %while3A_93 step %while3A_94 iter_args(%while3A_105 = %broadcast_in_dim3A_86) -> (vector<16xi32>)  : i32 {
            %mul3A_106 = arith.constant 16 : i32
            %mul3A_107 = arith.muli %while3A_104, %mul3A_106 : i32
            %get3A = arith.index_cast %mul3A_107 : i32 to index
            %get3A_108 = tpu.vector_load %arg5[%get3A] {strides = array<i32>} : memref<2048xi32, #tpu.memory_space<vmem>>, vector<16xi32>,
            %ge3A_109 = arith.cmpi sge, %get3A_108, %broadcast_in_dim3A_84 : vector<16xi32>
            %jit3A_110 = arith.constant 1 : i32
            %jit3A_111 = arith.constant 0 : i32
            %broadcast_in_dim3A_112 = vector.broadcast %jit3A_110 : i32 to vector<16xi32>
            %broadcast_in_dim3A_113 = vector.broadcast %jit3A_111 : i32 to vector<16xi32>
            %select_n3A_114 = arith.select %ge3A_109, %broadcast_in_dim3A_112, %broadcast_in_dim3A_113 : vector<16xi1>, vector<16xi32>
            %add3A_115 = arith.addi %while3A_105, %select_n3A_114 : vector<16xi32>
            scf.yield %add3A_115 : vector<16xi32>
          }
          %while3A_96 = arith.constant 1 : i32
          %while3A_97 = scf.for %while3A_104 = %while3A_93 to %while3A_89 step %while3A_96 iter_args(%while3A_105 = %while3A_95) -> (vector<16xi32>)  : i32 {
            %mul3A_106 = arith.constant 16 : i32
            %mul3A_107 = arith.muli %while3A_104, %mul3A_106 : i32
            %get3A = arith.index_cast %mul3A_107 : i32 to index
            %get3A_108 = tpu.vector_load %arg5[%get3A] {strides = array<i32>} : memref<2048xi32, #tpu.memory_space<vmem>>, vector<16xi32>,
            %ge3A_109 = arith.cmpi sge, %get3A_108, %broadcast_in_dim3A_84 : vector<16xi32>
            %jit3A_110 = arith.constant 1 : i32
            %jit3A_111 = arith.constant 0 : i32
            %broadcast_in_dim3A_112 = vector.broadcast %jit3A_110 : i32 to vector<16xi32>
            %broadcast_in_dim3A_113 = vector.broadcast %jit3A_111 : i32 to vector<16xi32>
            %select_n3A_114 = arith.select %ge3A_109, %broadcast_in_dim3A_112, %broadcast_in_dim3A_113 : vector<16xi1>, vector<16xi32>
            %add3A_115 = arith.addi %while3A_105, %select_n3A_114 : vector<16xi32>
            scf.yield %add3A_115 : vector<16xi32>
          }
          %reduce_sum3A = arith.constant true
          %reduce_sum3A_98 = vector.broadcast %reduce_sum3A : i1 to vector<16xi1>
          %reduce_sum3A_99 = tpu.scan <sum>, %while3A_97 masked %reduce_sum3A_98 : vector<16xi32>, vector<16xi1> -> vector<16xi32>
          %reduce_sum3A_100 = vector.extract %reduce_sum3A_99[15] : i32 from vector<16xi32>
          %ge3A_101 = arith.constant 512 : i32
          %ge3A_102 = arith.cmpi sge, %reduce_sum3A_100, %ge3A_101 : i32
          %select_n3A_103 = arith.select %ge3A_102, %or3A, %scan3A_78 : i32
          scf.yield %select_n3A_103 : i32
        }
        %scan3A_56 = arith.constant 32 : i32
        %xor3A = arith.constant -2147483648 : i32
        %xor3A_57 = arith.xori %scan3A_55, %xor3A : i32
        %broadcast_in_dim3A = vector.broadcast %xor3A_57 : i32 to vector<16xi32>
        %while3A_58 = arith.constant 128 : i32
        %while3A_59 = arith.constant 0 : i32
        %while3A_60 = arith.subi %while3A_58, %add3A_38 : i32
        %while3A_61 = arith.addi %add3A_38, %while3A_60 : i32
        %while3A_62 = arith.constant 1 : i32
        %while3A_63 = arith.divsi %while3A_60, %while3A_62 : i32
        %while3A_64 = arith.muli %while3A_63, %while3A_62 : i32
        %while3A_65 = arith.addi %add3A_38, %while3A_64 : i32
        %while3A_66 = arith.constant 1 : i32
        %while3A_67 = scf.for %while3A_77 = %add3A_38 to %while3A_65 step %while3A_66 iter_args(%while3A_78 = %while3A_59) -> (i32)  : i32 {
          %broadcast_in_dim3A_79 = arith.constant -2147483648 : i32
          %broadcast_in_dim3A_80 = vector.broadcast %broadcast_in_dim3A_79 : i32 to vector<16xi32>
          %mul3A_81 = arith.constant 16 : i32
          %mul3A_82 = arith.muli %while3A_77, %mul3A_81 : i32
          %swap3A = arith.index_cast %mul3A_82 : i32 to index
          %swap3A_83 = tpu.vector_load %arg5[%swap3A] {strides = array<i32>} : memref<2048xi32, #tpu.memory_space<vmem>>, vector<16xi32>,
          tpu.vector_store %arg5[%swap3A], %broadcast_in_dim3A_80 {strides = array<i32>} : memref<2048xi32, #tpu.memory_space<vmem>>, vector<16xi32>,
          %while3A_84 = arith.constant 0 : i32
          scf.yield %while3A_84 : i32
        }
        %while3A_68 = arith.constant 1 : i32
        %while3A_69 = scf.for %while3A_77 = %while3A_65 to %while3A_61 step %while3A_68 iter_args(%while3A_78 = %while3A_67) -> (i32)  : i32 {
          %broadcast_in_dim3A_79 = arith.constant -2147483648 : i32
          %broadcast_in_dim3A_80 = vector.broadcast %broadcast_in_dim3A_79 : i32 to vector<16xi32>
          %mul3A_81 = arith.constant 16 : i32
          %mul3A_82 = arith.muli %while3A_77, %mul3A_81 : i32
          %swap3A = arith.index_cast %mul3A_82 : i32 to index
          %swap3A_83 = tpu.vector_load %arg5[%swap3A] {strides = array<i32>} : memref<2048xi32, #tpu.memory_space<vmem>>, vector<16xi32>,
          tpu.vector_store %arg5[%swap3A], %broadcast_in_dim3A_80 {strides = array<i32>} : memref<2048xi32, #tpu.memory_space<vmem>>, vector<16xi32>,
          %while3A_84 = arith.constant 0 : i32
          scf.yield %while3A_84 : i32
        }
        %scan3A_70 = arith.constant 0 : i32
        %scan3A_71 = arith.constant 0 : i32
        %scan3A_72 = arith.constant 128 : i32
        %scan3A_73 = arith.addi %scan3A_71, %scan3A_72 : i32
        %scan3A_74 = arith.constant 1 : i32
        %scan3A_75 = scf.for %scan3A_77 = %scan3A_71 to %scan3A_73 step %scan3A_74 iter_args(%scan3A_78 = %scan3A_70) -> (i32)  : i32 {
          %mul3A_79 = arith.constant 16 : i32
          %mul3A_80 = arith.muli %scan3A_77, %mul3A_79 : i32
          %get3A = arith.index_cast %mul3A_80 : i32 to index
          %get3A_81 = tpu.vector_load %arg5[%get3A] {strides = array<i32>} : memref<2048xi32, #tpu.memory_space<vmem>>, vector<16xi32>,
          %ge3A_82 = arith.cmpi sge, %get3A_81, %broadcast_in_dim3A : vector<16xi32>
          %jit3A_83 = arith.constant 1 : i32
          %jit3A_84 = arith.constant 0 : i32
          %broadcast_in_dim3A_85 = vector.broadcast %jit3A_83 : i32 to vector<16xi32>
          %broadcast_in_dim3A_86 = vector.broadcast %jit3A_84 : i32 to vector<16xi32>
          %select_n3A_87 = arith.select %ge3A_82, %broadcast_in_dim3A_85, %broadcast_in_dim3A_86 : vector<16xi1>, vector<16xi32>
          %mul3A_88 = arith.constant 16 : i32
          %mul3A_89 = arith.muli %scan3A_77, %mul3A_88 : i32
          %swap3A = arith.index_cast %mul3A_89 : i32 to index
          %swap3A_90 = tpu.vector_load %arg6[%swap3A] {strides = array<i32>} : memref<2048xi32, #tpu.memory_space<vmem>>, vector<16xi32>,
          tpu.vector_store %arg6[%swap3A], %select_n3A_87 {strides = array<i32>} : memref<2048xi32, #tpu.memory_space<vmem>>, vector<16xi32>,
          %scan3A_91 = arith.constant 0 : i32
          scf.yield %scan3A_91 : i32
        }
        %scan3A_76 = arith.constant 128 : i32
        "tpu.region"() ({
          %run_scoped3A = tpu.sem_alloc : memref<!tpu.dma_semaphore, #tpu.memory_space<semaphore_mem>>
          %dma_start3A = arith.constant 0 : i32
          %dma_start3A_77 = tpu.memref_slice %arg3[%add3A_11, %dma_start3A] : memref<4096x2048xi32, #tpu.memory_space<hbm>> -> memref<1x2048xi32, #tpu.memory_space<hbm>>
          %dma_start3A_78 = tpu.memref_squeeze %dma_start3A_77 : memref<1x2048xi32, #tpu.memory_space<hbm>> -> memref<2048xi32, #tpu.memory_space<hbm>>
          %dma_start3A_79 = arith.constant 0 : i32
          %dma_start3A_80 = tpu.memref_slice %arg3[%add3A_11, %dma_start3A_79] : memref<4096x2048xi32, #tpu.memory_space<hbm>> -> memref<1x2048xi32, #tpu.memory_space<hbm>>
          %dma_start3A_81 = tpu.memref_squeeze %dma_start3A_80 : memref<1x2048xi32, #tpu.memory_space<hbm>> -> memref<2048xi32, #tpu.memory_space<hbm>>
          tpu.enqueue_dma source(%arg6 : memref<2048xi32, #tpu.memory_space<vmem>>) target(%dma_start3A_81 : memref<2048xi32, #tpu.memory_space<hbm>>) target_semaphore(%run_scoped3A : memref<!tpu.dma_semaphore, #tpu.memory_space<semaphore_mem>>)
          %dma_wait3A = arith.constant 0 : i32
          %dma_wait3A_82 = tpu.memref_slice %arg3[%add3A_11, %dma_wait3A] : memref<4096x2048xi32, #tpu.memory_space<hbm>> -> memref<1x2048xi32, #tpu.memory_space<hbm>>
          %dma_wait3A_83 = tpu.memref_squeeze %dma_wait3A_82 : memref<1x2048xi32, #tpu.memory_space<hbm>> -> memref<2048xi32, #tpu.memory_space<hbm>>
          %dma_wait3A_84 = arith.constant 0 : i32
          %dma_wait3A_85 = tpu.memref_slice %arg3[%add3A_11, %dma_wait3A_84] : memref<4096x2048xi32, #tpu.memory_space<hbm>> -> memref<1x2048xi32, #tpu.memory_space<hbm>>
          %dma_wait3A_86 = tpu.memref_squeeze %dma_wait3A_85 : memref<1x2048xi32, #tpu.memory_space<hbm>> -> memref<2048xi32, #tpu.memory_space<hbm>>
          tpu.wait_dma2 semaphore(%run_scoped3A : memref<!tpu.dma_semaphore, #tpu.memory_space<semaphore_mem>>) src(%arg6 : memref<2048xi32, #tpu.memory_space<vmem>>) dst(%dma_wait3A_86 : memref<2048xi32, #tpu.memory_space<hbm>>)
          tpu.yield
        }) : () -> ()
      } else {
      }
      %not3A = arith.constant true
      %not3A_15 = arith.xori %ge3A_13, %not3A : i1
      %convert_element_type3A_16 = arith.extui %not3A_15 : i1 to i32
      %cond3A_17 = arith.constant 0 : i32
      %cond3A_18 = arith.cmpi ne, %convert_element_type3A_16, %cond3A_17 : i32
      scf.if %cond3A_18 {
        %scan3A_20 = arith.constant 0 : i32
        %scan3A_21 = arith.constant 0 : i32
        %scan3A_22 = arith.constant 128 : i32
        %scan3A_23 = arith.addi %scan3A_21, %scan3A_22 : i32
        %scan3A_24 = arith.constant 1 : i32
        %scan3A_25 = scf.for %scan3A_27 = %scan3A_21 to %scan3A_23 step %scan3A_24 iter_args(%scan3A_28 = %scan3A_20) -> (i32)  : i32 {
          %mul3A_29 = arith.constant 16 : i32
          %mul3A_30 = arith.muli %scan3A_27, %mul3A_29 : i32
          %add3A_31 = vector.broadcast %mul3A_30 : i32 to vector<16xi32>
          %add3A_32 = arith.addi %add3A_31, %iota3A : vector<16xi32>
          %le3A = vector.broadcast %rem3A_12 : i32 to vector<16xi32>
          %le3A_33 = arith.cmpi sle, %add3A_32, %le3A : vector<16xi32>
          %jit3A = arith.constant 1 : i32
          %jit3A_34 = arith.constant 0 : i32
          %broadcast_in_dim3A = vector.broadcast %jit3A : i32 to vector<16xi32>
          %broadcast_in_dim3A_35 = vector.broadcast %jit3A_34 : i32 to vector<16xi32>
          %select_n3A = arith.select %le3A_33, %broadcast_in_dim3A, %broadcast_in_dim3A_35 : vector<16xi1>, vector<16xi32>
          %mul3A_36 = arith.constant 16 : i32
          %mul3A_37 = arith.muli %scan3A_27, %mul3A_36 : i32
          %swap3A = arith.index_cast %mul3A_37 : i32 to index
          %swap3A_38 = tpu.vector_load %arg6[%swap3A] {strides = array<i32>} : memref<2048xi32, #tpu.memory_space<vmem>>, vector<16xi32>,
          tpu.vector_store %arg6[%swap3A], %select_n3A {strides = array<i32>} : memref<2048xi32, #tpu.memory_space<vmem>>, vector<16xi32>,
          %scan3A_39 = arith.constant 0 : i32
          scf.yield %scan3A_39 : i32
        }
        %scan3A_26 = arith.constant 128 : i32
        "tpu.region"() ({
          %run_scoped3A = tpu.sem_alloc : memref<!tpu.dma_semaphore, #tpu.memory_space<semaphore_mem>>
          %dma_start3A = arith.constant 0 : i32
          %dma_start3A_27 = tpu.memref_slice %arg3[%add3A_11, %dma_start3A] : memref<4096x2048xi32, #tpu.memory_space<hbm>> -> memref<1x2048xi32, #tpu.memory_space<hbm>>
          %dma_start3A_28 = tpu.memref_squeeze %dma_start3A_27 : memref<1x2048xi32, #tpu.memory_space<hbm>> -> memref<2048xi32, #tpu.memory_space<hbm>>
          %dma_start3A_29 = arith.constant 0 : i32
          %dma_start3A_30 = tpu.memref_slice %arg3[%add3A_11, %dma_start3A_29] : memref<4096x2048xi32, #tpu.memory_space<hbm>> -> memref<1x2048xi32, #tpu.memory_space<hbm>>
          %dma_start3A_31 = tpu.memref_squeeze %dma_start3A_30 : memref<1x2048xi32, #tpu.memory_space<hbm>> -> memref<2048xi32, #tpu.memory_space<hbm>>
          tpu.enqueue_dma source(%arg6 : memref<2048xi32, #tpu.memory_space<vmem>>) target(%dma_start3A_31 : memref<2048xi32, #tpu.memory_space<hbm>>) target_semaphore(%run_scoped3A : memref<!tpu.dma_semaphore, #tpu.memory_space<semaphore_mem>>)
          %dma_wait3A = arith.constant 0 : i32
          %dma_wait3A_32 = tpu.memref_slice %arg3[%add3A_11, %dma_wait3A] : memref<4096x2048xi32, #tpu.memory_space<hbm>> -> memref<1x2048xi32, #tpu.memory_space<hbm>>
          %dma_wait3A_33 = tpu.memref_squeeze %dma_wait3A_32 : memref<1x2048xi32, #tpu.memory_space<hbm>> -> memref<2048xi32, #tpu.memory_space<hbm>>
          %dma_wait3A_34 = arith.constant 0 : i32
          %dma_wait3A_35 = tpu.memref_slice %arg3[%add3A_11, %dma_wait3A_34] : memref<4096x2048xi32, #tpu.memory_space<hbm>> -> memref<1x2048xi32, #tpu.memory_space<hbm>>
          %dma_wait3A_36 = tpu.memref_squeeze %dma_wait3A_35 : memref<1x2048xi32, #tpu.memory_space<hbm>> -> memref<2048xi32, #tpu.memory_space<hbm>>
          tpu.wait_dma2 semaphore(%run_scoped3A : memref<!tpu.dma_semaphore, #tpu.memory_space<semaphore_mem>>) src(%arg6 : memref<2048xi32, #tpu.memory_space<vmem>>) dst(%dma_wait3A_36 : memref<2048xi32, #tpu.memory_space<hbm>>)
          tpu.yield
        }) : () -> ()
      } else {
      }
      %scan3A_19 = arith.constant 0 : i32
      scf.yield %scan3A_19 : i32
    }
    %scan3A_6 = arith.constant 128 : i32
    return
  }
}

</mosaic_0001>

<sc_bundles>
// kernel: kernel.3.cloned.1.call-start
scs
__scs_entry_jumppad:
0x0: {  	(pc) =	sbr.rel $0x88, $3  }
0x1: {  	(tag) =	ssettag $0x0;
	lr =	simm.s32 $0x1  }
0x2: {  	[smem:$0x3FA0] =	sst lr;
	_ =	strace $0xD0000000  }
0x3: {  	_ = 	snop  }
0x4: {  	_ = 	snop  }
0x5: {  	_ = 	snop  }
0x6: {  	_ = 	snop  }
0x7: {  	_ = 	snop  }
__scs_overlays_trampoline_lowered:
0x8: {  	[smem:$0x3FAF] =	sst s0  }
0x9: {  	[smem:$0x3FB0] =	sst s1  }
0xa: {  	[smem:$0x3FB1] =	sst s2  }
0xb: {  	[smem:$0x3FB2] =	sst s3  }
0xc: {  	[smem:$0x3FB3] =	sst s4  }
0xd: {  	[smem:$0x3FB4] =	sst s5  }
0xe: {  	[smem:$0x3FB5] =	sst s6  }
0xf: {  	[smem:$0x3FB6] =	sst s7  }
0x10: {  	[smem:$0x3FB7] =	sst s8  }
0x11: {  	[smem:$0x3FB8] =	sst s9;
	s0 =	simm.s32 @!p0 $0x0  }
0x12: {  	s1 =	sld [smem:$0x3F9E];
	s0 =	simm.s32 @p0 $0x1  }
0x13: {  	[smem:$0x3FB9] =	sst s0;
	s0 =	simm.s32 @!p1 $0x0  }
0x14: {  	s2 =	sld [smem:$0x3F9D];
	s0 =	simm.s32 @p1 $0x1  }
0x15: {  	[smem:$0x3FBA] =	sst s0;
	s0 =	simm.s32 @!p2 $0x0  }
0x16: {  	s3 =	sld [smem:$0x3FDB];
	s0 =	simm.s32 @p2 $0x1  }
0x17: {  	s4 =	simm.s32 $0x1BF5;
	[smem:$0x3FBC] =	sst s0  }
0x18: {  	s0 =	sld [smem:$0x3F9F];
	_ =	swait.ge [sflag:s4], $0x0  }
0x19: {  	s7 =	sld [smem:$0x3FA0]  }
0x1a: {  	s8 =	sadd.s32 $0xFFFFE003, lr  }
0x1b: {  	s9 =	sadd.s32 $0xFFFFFEF7, lr;
	s5 =	simm.s32 $0xFFFFFFFF;
	p2 =	slt.u32 s8, $0xFFFFF086  }
0x1c: {  	p1 =	slt.u32 s9, $0xF7A;
	s5 =	simm.s32 @!p2 $0x0  }
0x1d: {  	s5 =	simm.s32 @p1 $0x1;
	p0 =	seq.s32 s7, s2  }
0x1e: {  	s7 =	smul.u32 @!p0 $0xF7A, s2;
	p2 =	seq.s32 @!p0 s5, $0x0  }
0x1f: {  	s9 =	smul.u32 $0xF7A, s1;
	s8 =	simm.s32 @!p0 $0x1BF5;
	p2 =	por !p2, p0  }
0x20: {  	[sflag:s8] =	ssyncset.s32 @!p0 $0xFFFFF086;
	s6 =	sadd.s32 @!p0 s3, s7;
	s7 =	simm.s32 @!p0 $0x108  }
0x21: {  	s3 =	sadd.s32 s3, s9;
	s6 =	sadd.s32 @!p0 $0x88, s6;
	s7 =	simm.s32 @p2 $0x1082  }
0x22: {  	[simem:s7], [sflag:s8] =	dma.local @!p0 [hbm:s6], $0xF7A  }
0x23: {  	s9 =	sor.u32 $0xD0000000, s2;
	s6 =	simm.s32 $0x108;
	_ =	swait.ge @!p0 [sflag:s8], $0x0  }
0x24: {  	s3 =	sadd.s32 $0x88, s3;
	s6 =	simm.s32 @!p1 $0x1082;
	[sflag:s4] =	ssyncset.s32 $0xFFFFF086  }
0x25: {  	[simem:s6], [sflag:s4] =	dma.local [hbm:s3], $0xF7A  }
0x26: {  	[smem:$0x3FA0] =	sst s1;
	(tag) =	ssettag s2;
	_ =	strace s9  }
0x27: {  	s1 =	sld [smem:$0x3FB0]  }
0x28: {  	s2 =	sld [smem:$0x3FB1]  }
0x29: {  	s4 =	sld [smem:$0x3FB3]  }
0x2a: {  	p0 =	seq.s32 s5, $0x0;
	s5 =	sld [smem:$0x3FB4]  }
0x2b: {  	s6 =	sld [smem:$0x3FB5]  }
0x2c: {  	s7 =	sld [smem:$0x3FB6]  }
0x2d: {  	s3 =	simm.s32 $0x108;
	s8 =	sld [smem:$0x3FB7]  }
0x2e: {  	s3 =	simm.s32 @!p0 $0x1082;
	s9 =	sld [smem:$0x3FB8]  }
0x2f: {  	lr =	sadd.s32 s0, s3;
	s0 =	sld [smem:$0x3FAF]  }
0x30: {  	s3 =	sld [smem:$0x3FB2]  }
0x31: {  	[smem:$0x3FBB] =	sst s10  }
0x32: {  	s10 =	sld [smem:$0x3FB9];
	_ =	sdelay $0x3  }
0x33: {  	p0 =	seq.s32 s10, $0x1;
	s10 =	sld [smem:$0x3FBB];
	_ =	sdelay $0x3  }
0x34: {  	[smem:$0x3FBB] =	sst s10  }
0x35: {  	s10 =	sld [smem:$0x3FBA];
	_ =	sdelay $0x3  }
0x36: {  	p1 =	seq.s32 s10, $0x1;
	s10 =	sld [smem:$0x3FBB];
	_ =	sdelay $0x3  }
0x37: {  	[smem:$0x3FBB] =	sst s10  }
0x38: {  	s10 =	sld [smem:$0x3FBC]  }
0x39: {  	_ = 	snop;
	(pc) =	sbr.ind lr, $3  }
0x3a: {  	_ = 	snop  }
0x3b: {  	_ = 	snop  }
0x3c: {  	p2 =	seq.s32 s10, $0x1;
	s10 =	sld [smem:$0x3FBB]  }
0x3d: {  	_ =	shalt  }
0x3e: {  	_ =	shalt  }
0x3f: {  	_ =	shalt  }
0x40: {  	_ =	shalt  }
0x41: {  	_ =	shalt  }
0x42: {  	_ =	shalt  }
0x43: {  	_ =	shalt  }
0x44: {  	_ =	shalt  }
0x45: {  	_ =	shalt  }
0x46: {  	_ =	shalt  }
0x47: {  	_ =	shalt  }
0x48: {  	_ =	shalt  }
0x49: {  	_ =	shalt  }
0x4a: {  	_ =	shalt  }
0x4b: {  	_ =	shalt  }
0x4c: {  	_ =	shalt  }
0x4d: {  	_ =	shalt  }
0x4e: {  	_ =	shalt  }
0x4f: {  	_ =	shalt  }
0x50: {  	_ =	shalt  }
0x51: {  	_ =	shalt  }
0x52: {  	_ =	shalt  }
0x53: {  	_ =	shalt  }
0x54: {  	_ =	shalt  }
0x55: {  	_ =	shalt  }
0x56: {  	_ =	shalt  }
0x57: {  	_ =	shalt  }
0x58: {  	_ =	shalt  }
0x59: {  	_ =	shalt  }
0x5a: {  	_ =	shalt  }
0x5b: {  	_ =	shalt  }
0x5c: {  	_ =	shalt  }
0x5d: {  	_ =	shalt  }
0x5e: {  	_ =	shalt  }
0x5f: {  	_ =	shalt  }
0x60: {  	_ =	shalt  }
0x61: {  	_ =	shalt  }
0x62: {  	_ =	shalt  }
0x63: {  	_ =	shalt  }
0x64: {  	_ =	shalt  }
0x65: {  	_ =	shalt  }
0x66: {  	_ =	shalt  }
0x67: {  	_ =	shalt  }
0x68: {  	_ =	shalt  }
0x69: {  	_ =	shalt  }
0x6a: {  	_ =	shalt  }
0x6b: {  	_ =	shalt  }
0x6c: {  	_ =	shalt  }
0x6d: {  	_ =	shalt  }
0x6e: {  	_ =	shalt  }
0x6f: {  	_ =	shalt  }
0x70: {  	_ =	shalt  }
0x71: {  	_ =	shalt  }
0x72: {  	_ =	shalt  }
0x73: {  	_ =	shalt  }
0x74: {  	_ =	shalt  }
0x75: {  	_ =	shalt  }
0x76: {  	_ =	shalt  }
0x77: {  	_ =	shalt  }
0x78: {  	_ =	shalt  }
0x79: {  	_ =	shalt  }
0x7a: {  	_ =	shalt  }
0x7b: {  	_ =	shalt  }
0x7c: {  	_ =	shalt  }
0x7d: {  	_ =	shalt  }
0x7e: {  	_ =	shalt  }
0x7f: {  	_ =	shalt  }
0x80: {  	_ =	shalt  }
0x81: {  	_ =	shalt  }
0x82: {  	_ =	shalt  }
0x83: {  	_ =	shalt  }
0x84: {  	_ =	shalt  }
0x85: {  	_ =	shalt  }
0x86: {  	_ =	shalt  }
0x87: {  	_ =	shalt  }
.Lfunc_end0:
.L_simem_size_0:
called_computation_lowered:
.L_overlay_start_0:
0x88: {  	s2 =	sld [smem:$0x3FD9]  }
0x89: {  	s3 =	sld [smem:$0x3FFE];
	_ =	sdelay $0x1  }
0x8a: {  	s1 =	srdreg.scid  }
0x8b: {  	s0 =	sand.u32 $0x1, s1  }
0x8c: {  	s17 =	sshll.u32 s0, $0xA;
	s2 =	sadd.s32 s3, s2  }
0x8d: {  	s2 =	sadd.s32 s2, s17  }
0x8e: {  	[smem:$0x3FC7] =	sst s2  }
0x8f: {  	_ = 	snop  }
0x90: {  	s2 =	sld [smem:$0x3FC9];
	(tm) =	ssettm $0x1  }
0x91: {  	s18 =	sld [smem:$0x3FFB];
	_ =	sdelay $0x3  }
0x92: {  	_ =	strace s18  }
0x93: {  	s3 =	sld [smem:$0x3FFC];
	_ =	sdelay $0x3  }
0x94: {  	_ =	strace s3  }
0x95: {  	s3 =	sld [smem:$0x3FFD];
	_ =	sdelay $0x3  }
0x96: {  	_ =	strace s3  }
0x97: {  	_ =	strace $0x8FFFFFFF  }
0x98: {  	s19 =	sld [smem:$0x3FDB];
	_ =	sdelay $0x1  }
0x99: {  	s4 =	simm.s32 $_scs_section_size  }
0x9a: {  	s5 =	simm.s32 $_size__tile_overlayer_lowered;
	s6 =	simm.s32 $_tile_overlayer_lowered  }
0x9b: {  	s22 =	simm.s32 $0x1BFF;
	s21 =	sshll.u32 s6, $0x1;
	s3 =	sadd.s32 s4, s19  }
0x9c: {  	s7 =	simm.s32 $0x0;
	s20 =	sshll.u32 s5, $0x1;
	s5 =	sadd.s32 s21, s3  }
0x9d: {  	[timem:s7], [sflag:s22] =	dma.local [hbm:s5], s20  }
0x9e: {  	_ =	swait.ge [sflag:s22], s20  }
0x9f: {  	s4 =	ssub.s32 $0x0, s20;
	[sflag:s22] =	ssyncset.done $0x0  }
0xa0: {  	[sflag:s22] =	ssyncadd.s32 s4;
	_ =	sdelay $0x1  }
0xa1: {  	s23 =	simm.s32 $0x1B8B  }
0xa2: {  	_ =	swait.ge [sflag:s23], $0x1  }
0xa3: {  	[sflag:s23] =	ssyncset.done $0x0  }
0xa4: {  	s25 =	simm.s32 $0x1B8E;
	s24 =	sld [smem:$0x3FFE];
	[sflag:s23] =	ssyncadd.s32 $0xFFFFFFFF  }
0xa5: {  	s26 =	simm.s32 $execute0_lowered;
	[smem:$0x3FD2] =	sst s25  }
0xa6: {  	s5 =	sshll.u32 s26, $0x1;
	_ =	strace $0x80000046;
	[dreg:$0x1] =	wrdreg $0xFFFFFFFF  }
0xa7: {  	s28 =	simm.s32 $_size_execute0_lowered;
	s3 =	sadd.s32 s3, s5;
	[dreg:$0x0] =	wrdreg $0x0  }
0xa8: {  	s5 =	sshll.u32 s28, $0x1;
	[dreg:$0x2] =	wrdreg s3  }
0xa9: {  	[dreg:$0x3] =	wrdreg s5  }
0xaa: {  	[dreg:$0x4] =	wrdreg $0xC0  }
0xab: {  	_ =	task [dreg:s7], $0x5FFFF  }
0xac: {  	[dreg:$0x1] =	wrdreg $0xFFFFFFFF  }
0xad: {  	[dreg:$0x0] =	wrdreg $0x60  }
0xae: {  	[dreg:$0x2] =	wrdreg s2  }
0xaf: {  	[dreg:$0x3] =	wrdreg s24  }
0xb0: {  	[dreg:$0x4] =	wrdreg $0x9  }
0xb1: {  	_ =	task.clear_ibuf [dreg:s7], $0x5FFFF;
	_ =	strace $0x90000046  }
0xb2: {  	s29 =	simm.s32 $0x9;
	_ =	strace $0x80000048  }
0xb3: {  	_ =	swait.ge [sflag:s29], $0x1  }
0xb4: {  	[sflag:s29] =	ssyncadd.s32 $0xFFFFFFFF  }
0xb5: {  	_ =	strace $0x90000048  }
0xb6: {  	_ =	sfence  }
0xb7: {  	s30 =	sld [smem:$0x0];
	_ =	sdelay $0x2  }
0xb8: {  	s31 =	sshll.u32 s1, $0xD;
	s1 =	sshrl.u32 s1, $0x2  }
0xb9: {  	s3 =	sand.u32 $0x4000, s31;
	s1 =	sadd.s32 s1, s30  }
0xba: {  	s0 =	sor.u32 s3, s0;
	s1 =	sshll.u32 s1, $0x11  }
0xbb: {  	s0 =	sor.u32 s1, s0  }
0xbc: {  	s0 =	sadd.s32 $0x8F2B, s0  }
0xbd: {  	[sflag:s0] =	ssyncadd.remote.s32 $0x1  }
0xbe: {  	_ =	sfence.sel $0xFFFF  }
0xbf: {  	[dreg:$0x0] =	wrdreg $0xFFFFFFFF;
	(pc) =	sbr.abs _section_cstart, $3  }
0xc0: {  	[dreg:$0x1] =	wrdreg $0xFFFFFFFF  }
0xc1: {  	_ =	task.clear_ibuf [dreg:s7], $0x2FFFF;
	_ =	strace $0x9FFFFFFF  }
0xc2: {  	(tm) =	ssettm $0x7FFFFFFF  }
0xc3: {  	_ =	shalt  }
tec
execute0_lowered:
.L_overlay_start_1:
0x0: {  	(tag) =	ssettag $0x1  }
0x1: {  	s2 =	rddreg [dreg:$0x0]  }
0x2: {  	s6 =	rddreg [dreg:$0x1];
	s3 =	srdreg.scid  }
0x3: {  	s1 =	stileid.u32;
	s0 =	rddreg [dreg:$0x2]  }
0x4: {  	s4 =	simm.s32 $0x0;
	s11 =	simm.s32 $0x400;
	s12 =	simm.s32 $0x2  }
0x5: {  	s13 =	simm.s32 $0x80000000;
	s14 =	simm.s32 $0x1000;
	s15 =	simm.s32 $0x1  }
.Ltmp0:
0x6: {  	s5 =	sand.u32 $0x1, s3;
	s3 =	sshll.u32 s1, $0x1;
	(pc) =	sbr.rel .LBB2_1-.Ltmp0, $4  }
0x7: {  	[smem:$0x7FF] =	sst s4;
	s7 =	ssub.s32 $0x2, s5;
	s5 =	sor.u32 s5, s3  }
0x8: {  	s6 =	sadd.s32 $0x400, s6;
	s8 =	sshrl.u32 s7, $0x1;
	s9 =	sshll.u32 s5, $0x4  }
0x9: {  	v0 =	vlaneseq.u32;
	_ =	strace $0x80000047;
	s10 =	ssub.s32 s7, s8;
	s7 =	sand.u32 $0x70, s9  }
0xa: {  	v2 =	vimm.s32 $0x0;
	v3 =	vimm.s32 $0x80000000;
	v1 =	vmul.u32 $0xFFFFFFFF, v0;
	s8 =	sadd.s32 s6, s7;
	s9 =	smax.u32 s10, $0x1;
	s10 =	simm.s32 $0x80  }
.LBB2_23:
0xb: {  	s4 =	sadd.s32 $0x1, s4  }
0xc: {  	p0 =	sne.s32 s4, s9  }
.Ltmp1:
0xd: {  	_ = 	snop;
	(pc) =	sbr.rel @!p0 .LBB2_24-.Ltmp1, $1  }
0xe: {  	_ =	sdelay $0x3  }
.LBB2_1:
.Ltmp2:
0xf: {  	(pc) =	sbr.rel .LBB2_2-.Ltmp2, $2  }
0x10: {  	_ =	sdelay $0x2  }
0x11: {  	s16 =	smov.u32 s5;
	s17 =	smov.u32 s3;
	s18 =	simm.s32 $0x0  }
.LBB2_22:
0x12: {  	s18 =	sadd.s32 $0x1, s18  }
0x13: {  	p0 =	sne.s32 s18, $0x80  }
.Ltmp3:
0x14: {  	_ = 	snop;
	(pc) =	sbr.rel @!p0 .LBB2_23-.Ltmp3, $2  }
0x15: {  	_ =	sdelay $0x2  }
0x16: {  	s17 =	sadd.s32 $0x20, s17;
	s16 =	sadd.s32 $0x20, s16  }
.LBB2_2:
0x17: {  	s19 =	sshll.u32 s18, $0x5  }
0x18: {  	s19 =	sor.u32 s5, s19  }
0x19: {  	s20 =	sand.u32 $0x7FF, s19  }
0x1a: {  	p0 =	slt.u32 s20, $0x200  }
.Ltmp4:
0x1b: {  	_ = 	snop;
	(pc) =	sbr.rel @p0 .LBB2_18-.Ltmp4, $2  }
0x1c: {  	_ =	sdelay $0x2  }
0x1d: {  	s19 =	sshll.u32 s19, $0x8  }
0x1e: {  	s21 =	sand.u32 $0xFF800, s19  }
0x1f: {  	s21 =	sor.u32 s7, s21  }
0x20: {  	s22 =	simm.s32 $0x0;
	s23 =	sadd.s32 s2, s21  }
0x21: {  	[tilespmem:s22], [sflag:$0x2] =	stream.strided.gather [hbm4b:s23+s10], $0x800, s11, s10, $0x38;
	[tilespmem:$0x1800] =	vst v63  }
0x22: {  	_ =	swait.ge [sflag:s12], $0x800  }
0x23: {  	[sflag:s12] =	ssyncset.done $0x0  }
0x24: {  	[sflag:s12] =	ssyncadd.s32 $0xFFFFF800  }
0x25: {  	v5 =	vld [tilespmem:s22+$0x0];
	_ =	sdelay $0x1  }
0x26: {  	s25 =	sand.u32 $0x7F0, s17  }
0x27: {  	s26 =	sadd.s32 $0x10, s25  }
0x28: {  	p0 =	sne.s32 s26, $0x10  }
.Ltmp5:
0x29: {  	v6 =	vshra.s32 v5, $0x1F;
	(pc) =	sbr.rel @!p0 .LBB2_5-.Ltmp5, $4  }
0x2a: {  	v4 =	vadd.s32 s20, v1;
	v7 =	vmov s22;
	v6 =	vand.u32 $0x7FFFFFFF, v6  }
0x2b: {  	s31 =	sand.u32 $0x7F0, s16;
	s28 =	simm.s32 $0x800;
	s29 =	simm.s32 $0x10;
	vm0 =	vgt.s32 v7, v4;
	v5 =	vxor.u32 v5, v6  }
0x2c: {  	s30 =	simm.s32 $0x10;
	s24 =	sshrl.u32 s31, $0x4;
	s25 =	sshrl.u32 s25, $0x4;
	v5 =	vsel vm0, $0x80000000, v5  }
0x2d: {  	s24 =	sadd.s32 $0xFFFFFFFF, s24;
	s25 =	sxor.u32 $0xFFFFFFFF, s25;
	s23 =	sadd.s32 $0x810, s31;
	[tilespmem:s28+$0x0] =	vst v5  }
.LBB2_4:
0x2e: {  	v5 =	vld [tilespmem:s29+$0x0];
	s31 =	smov.u32 s30;
	s30 =	sadd.s32 $0x10, s30  }
0x2f: {  	p0 =	sne.s32 s26, s30;
	_ =	sdelay $0x3  }
.Ltmp6:
0x30: {  	v6 =	vshra.s32 v5, $0x1F;
	(pc) =	sbr.rel @p0 .LBB2_4-.Ltmp6, $4  }
0x31: {  	v7 =	vmov s31;
	v6 =	vand.u32 $0x7FFFFFFF, v6  }
0x32: {  	vm0 =	vgt.s32 v7, v4;
	v5 =	vxor.u32 v5, v6  }
0x33: {  	s28 =	sadd.s32 $0x10, s28;
	v5 =	vsel vm0, $0x80000000, v5  }
0x34: {  	s29 =	sadd.s32 $0x10, s29;
	[tilespmem:s28+$0x0] =	vst v5  }
.LBB2_5:
0x35: {  	s26 =	simm.s32 $0x0  }
.LBB2_6:
0x36: {  	s29 =	sadd.s32 $0x1, s25  }
0x37: {  	p1 =	seq.s32 s29, $0x0  }
.Ltmp7:
0x38: {  	_ = 	snop;
	(pc) =	sbr.rel @p1 .LBB2_7-.Ltmp7, $4  }
0x39: {  	s28 =	sshrl.u32 s13, s26  }
0x3a: {  	s28 =	sor.u32 s28, s22  }
0x3b: {  	s31 =	simm.s32 $0x800;
	s30 =	sxor.u32 $0x80000000, s28  }
0x3c: {  	v4 =	vimm.s32 $0x0;
	p0 =	por $0x0, $0x0;
	v6 =	vld [tilespmem:s31+$0x0];
	v5 =	vmov s30  }
0x3d: {  	s29 =	sadd.s32 $0x1, s29  }
0x3e: {  	p1 =	seq.s32 s29, $0x0  }
.Ltmp8:
0x3f: {  	_ = 	snop;
	(pc) =	sbr.rel @p1 .LBB2_9-.Ltmp8, $3  }
0x40: {  	_ =	sdelay $0x1  }
0x41: {  	s30 =	simm.s32 $0x810;
	vm0 =	vge.s32 v6, v5  }
0x42: {  	p0 =	por $0x1, $0x1;
	v7 =	vimm.s32 $0x0;
	v6 =	vld [tilespmem:s30+$0x0];
	v8 =	vsel vm0, $0x1, v2  }
.LBB2_10:
0x43: {  	s29 =	sadd.s32 $0x1, s29  }
0x44: {  	v7 =	vadd.s32 v8, v7;
	p1 =	seq.s32 s29, $0x0  }
.Ltmp9:
0x45: {  	(pc) =	sbr.rel @!p1 .LBB2_10-.Ltmp9, $3  }
0x46: {  	_ =	sdelay $0x1  }
0x47: {  	s30 =	sadd.s32 $0x10, s30;
	vm0 =	vge.s32 v6, v5  }
0x48: {  	v6 =	vld [tilespmem:s30+$0x0];
	v8 =	vsel vm0, $0x1, v2  }
.LBB2_11:
0x49: {  	_ =	sdelay $0x3  }
0x4a: {  	v7 =	vadd.s32 @p0 v8, v7;
	vm0 =	vge.s32 v6, v5  }
0x4b: {  	v4 =	vpsel p0, v7, v4;
	v5 =	vsel vm0, $0x1, v2  }
0x4c: {  	v4 =	vadd.s32 v5, v4  }
0x4d: {  	(xrf0) =	vadd.scan.msk.s32 $0xffff, v4;
	_ =	sdelay $0x5  }
0x4e: {  	v4, _, _ =	vpop (xrf0)  }
0x4f: {  	(v2sf) =	vpush v4, $0xF;
	_ =	sdelay $0xa  }
0x50: {  	s26 =	sadd.s32 $0x1, s26  }
0x51: {  	p1 =	sne.s32 s26, $0x20  }
.Ltmp10:
0x52: {  	_ = 	snop;
	(pc) =	sbr.rel @p1 .LBB2_6-.Ltmp10, $4  }
.Ltmp11:
0x53: {  	_ = 	snop;
	(pc) =	sbr.rel @!p1 .LBB2_12-.Ltmp11, $4  }
0x54: {  	s29 =	spop (v2sf)  }
0x55: {  	p0 =	sgt.s32 s29, $0x1FF  }
0x56: {  	s22 =	smov.u32 @p0 s28  }
0x57: {  	_ = 	snop  }
.LBB2_7:
.Ltmp12:
0x58: {  	(pc) =	sbr.rel .LBB2_11-.Ltmp12, $2  }
0x59: {  	_ =	sdelay $0x2  }
0x5a: {  	v7 =	vimm.s32 $0x0  }
.LBB2_9:
.Ltmp13:
0x5b: {  	(pc) =	sbr.rel .LBB2_11-.Ltmp13, $2  }
0x5c: {  	_ =	sdelay $0x2  }
0x5d: {  	v7 =	vimm.s32 $0x0  }
.LBB2_12:
0x5e: {  	s25 =	sshrl.u32 s20, $0x4  }
0x5f: {  	p0 =	seq.s32 s25, $0x7F  }
.Ltmp14:
0x60: {  	_ = 	snop;
	(pc) =	sbr.rel @p0 .LBB2_15-.Ltmp14, $1  }
0x61: {  	_ =	sdelay $0x3  }
0x62: {  	s24 =	sadd.s32 $0x1, s24  }
0x63: {  	p0 =	slt.u32 s24, $0x7E  }
.Ltmp15:
0x64: {  	_ = 	snop;
	(pc) =	sbr.rel @!p0 .LBB2_15-.Ltmp15, $2  }
0x65: {  	_ =	sdelay $0x2  }
0x66: {  	[tilespmem:s23+$0x0] =	vst v3  }
.LBB2_14:
0x67: {  	s24 =	sadd.s32 $0x1, s24  }
0x68: {  	p0 =	slt.u32 s24, $0x7E  }
.Ltmp16:
0x69: {  	_ = 	snop;
	(pc) =	sbr.rel @p0 .LBB2_14-.Ltmp16, $3  }
0x6a: {  	_ =	sdelay $0x1  }
0x6b: {  	s23 =	sadd.s32 $0x10, s23  }
0x6c: {  	[tilespmem:s23+$0x0] =	vst v3  }
.LBB2_15:
0x6d: {  	s23 =	sxor.u32 $0x80000000, s22;
	s22 =	simm.s32 $0x0  }
0x6e: {  	v5 =	vld [tilespmem:s22+$0x800]  }
0x6f: {  	v4 =	vmov s23;
	s23 =	simm.s32 $0x40  }
.LBB2_16:
0x70: {  	p0 =	sne.s32 s23, $0x1FC0  }
.Ltmp17:
0x71: {  	_ = 	snop;
	(pc) =	sbr.rel @p0 .LBB2_16-.Ltmp17, $4  }
0x72: {  	_ = 	snop  }
0x73: {  	s24 =	sshra.s32 s23, $0x2;
	s23 =	sadd.s32 $0x40, s23;
	vm0 =	vge.s32 v5, v4  }
0x74: {  	v5 =	vld [tilespmem:s24+$0x800];
	v6 =	vsel vm0, $0x1, v2  }
0x75: {  	[tilespmem:s22+$0x1000] =	vst v6;
	s22 =	smov.u32 s24  }
0x76: {  	_ =	sdelay $0x2  }
0x77: {  	vm0 =	vge.s32 v5, v4  }
0x78: {  	v4 =	vsel vm0, $0x1, v2  }
0x79: {  	s21 =	sadd.s32 s6, s21;
	[tilespmem:s22+$0x1000] =	vst v4  }
0x7a: {  	[hbm4b:s21+s10] =	stream.strided.scatter [tilespmem:s14], [sflag:$0x2], $0x800, s11, s10, $0x38;
	[tilespmem:$0x1800] =	vst v63  }
0x7b: {  	_ =	swait.ge [sflag:s12], $0x800  }
0x7c: {  	[sflag:s12] =	ssyncset.done $0x0  }
0x7d: {  	[sflag:s12] =	ssyncadd.s32 $0xFFFFF800  }
.LBB2_18:
0x7e: {  	p0 =	sgt.u32 s20, $0x1FF  }
.Ltmp18:
0x7f: {  	_ = 	snop;
	(pc) =	sbr.rel @p0 .LBB2_22-.Ltmp18, $1  }
0x80: {  	_ =	sdelay $0x3  }
0x81: {  	s21 =	simm.s32 $0x0  }
0x82: {  	v4 =	vmov s20;
	v5 =	vor.u32 s21, v0  }
0x83: {  	vm0 =	vle.u32 v5, v4  }
0x84: {  	s20 =	simm.s32 $0x1000;
	v5 =	vsel vm0, $0x1, v2  }
0x85: {  	s21 =	simm.s32 $0x10;
	[tilespmem:s20+$0x0] =	vst v5  }
.LBB2_20:
0x86: {  	p0 =	sne.s32 s21, $0x7F0  }
.Ltmp19:
0x87: {  	_ = 	snop;
	(pc) =	sbr.rel @p0 .LBB2_20-.Ltmp19, $4  }
0x88: {  	v5 =	vor.u32 s21, v0  }
0x89: {  	vm0 =	vle.u32 v5, v4  }
0x8a: {  	s20 =	sadd.s32 $0x10, s20;
	v5 =	vsel vm0, $0x1, v2  }
0x8b: {  	s21 =	sadd.s32 $0x10, s21;
	[tilespmem:s20+$0x0] =	vst v5  }
0x8c: {  	s19 =	sand.u32 $0xFF800, s19  }
.Ltmp20:
0x8d: {  	s19 =	sadd.s32 s19, s8;
	(pc) =	sbr.rel .LBB2_22-.Ltmp20, $4  }
0x8e: {  	[hbm4b:s19+s10] =	stream.strided.scatter [tilespmem:s14], [sflag:$0x1], $0x800, s11, s10, $0x38;
	[tilespmem:$0x1800] =	vst v63  }
0x8f: {  	_ =	swait.ge [sflag:s15], $0x800  }
0x90: {  	[sflag:s15] =	ssyncset.done $0x0  }
0x91: {  	[sflag:s15] =	ssyncadd.s32 $0xFFFFF800  }
.LBB2_24:
0x92: {  	_ =	sfence.sel $0x180000  }
0x93: {  	[bflag:$0x0] =	sbarrier.arrive $0xFFFF  }
0x94: {  	p0 =	sne.s32 s1, $0x0;
	_ =	strace $0x90000047  }
0x95: {  	s0 =	sadd.s32 @!p0 $0x100000, s0;
	[bflag:$0x2] =	sbarrier.arrive $0xFFFF  }
0x96: {  	[sflag:s0] =	ssyncadd.tile.s32 @!p0 $0x1;
	_ =	shalt  }
.Lfunc_end2:
_tile_overlayer_lowered:
.L_overlay_start_2:
0x97: {  	(tag) =	ssettag $0x2  }
0x98: {  	s0 =	rddreg [dreg:$0x0];
	s2 =	stileid.u32  }
0x99: {  	s1 =	rddreg [dreg:$0x1];
	p0 =	sne.s32 s2, $0x0  }
0x9a: {  	s3 =	rddreg [dreg:$0x2];
	[bflag:$0x3] =	sbarrier.arrive $0xFFFF;
	s2 =	simm.s32 @!p0 $0x1C01  }
0x9b: {  	[timem:s3], [sflag:s2] =	dma.local @!p0 [hbm:s0], s1  }
0x9c: {  	s0 =	simm.s32 @!p0 $0x1  }
0x9d: {  	_ =	swait.ge @!p0 [sflag:s0], s1  }
0x9e: {  	s1 =	ssub.s32 @!p0 $0x0, s1;
	[sflag:s0] =	ssyncset.done @!p0 $0x0  }
0x9f: {  	[sflag:s0] =	ssyncadd.s32 @!p0 s1  }
0xa0: {  	[bflag:$0x3] =	sbarrier.arrive $0xFFFF  }
0xa1: {  	_ =	shalt  }

</sc_bundles>
